<compile_context>
chip_gen: v7x
topology: tpu7x:2x2x1
jax: 0.10.2.dev20260603
libtpu: 0.0.44.dev20260713+nightly
codegen_flags: <defaults>
</compile_context>

<pallas_src>
import functools

import jax
import jax.numpy as jnp
from jax import lax
from jax.experimental import pallas as pl
from jax.experimental.pallas import tpu as pltpu
from jax.experimental.pallas import tpu_sc as plsc

FLAT = 2048
NIDX = 4096
LANES = 16


def _sc_build_table(smooth_f32, idx, ones):
    mesh = plsc.VectorSubcoreMesh(core_axis_name="c", subcore_axis_name="s")
    UNROLL = 8

    @functools.partial(
        pl.kernel,
        mesh=mesh,
        out_type=jax.ShapeDtypeStruct((FLAT,), jnp.float32),
        scratch_types=[
            pltpu.VMEM((NIDX,), jnp.int32),
            pltpu.VMEM((NIDX,), jnp.float32),
            pltpu.VMEM((FLAT,), jnp.float32),
            pltpu.SemaphoreType.DMA,
            pltpu.SemaphoreType.DMA,
            pltpu.SemaphoreType.DMA,
        ],
        compiler_params=pltpu.CompilerParams(needs_layout_passes=False),
    )
    def build(smooth_hbm, idx_hbm, ones_hbm, out_hbm, idx_v, sm_v, m_v,
              sem0, sem1, sem2):
        cid = lax.axis_index("c")
        sid = lax.axis_index("s")

        @pl.when((cid == 0) & (sid == 0))
        def _():
            c0 = pltpu.async_copy(idx_hbm, idx_v, sem0)
            c1 = pltpu.async_copy(smooth_hbm, sm_v, sem1)
            c2 = pltpu.async_copy(ones_hbm, m_v, sem2)
            c0.wait()
            c1.wait()
            c2.wait()

            def scat_body(j, carry):
                base = j * (LANES * UNROLL)
                for u in range(UNROLL):
                    ii = idx_v[pl.ds(base + u * LANES, LANES)]
                    ss = sm_v[pl.ds(base + u * LANES, LANES)]
                    plsc.store_scatter(m_v, [ii], ss)
                return carry

            lax.fori_loop(0, NIDX // (LANES * UNROLL), scat_body, 0)
            pltpu.sync_copy(m_v, out_hbm)

    return build(smooth_f32, idx, ones)


def _tc_scale(x, m2):
    B, H, S, D = x.shape
    HB = 4

    def body(x_ref, m_ref, o_ref):
        hb = pl.program_id(1)
        m = m_ref[pl.ds(hb * HB, HB), :].reshape(1, HB, 1, D)
        o_ref[...] = x_ref[...] * m

    return pl.pallas_call(
        body,
        grid=(B, H // HB),
        in_specs=[
            pl.BlockSpec((1, HB, S, D), lambda b, h: (b, h, 0, 0)),
            pl.BlockSpec((H, D), lambda b, h: (0, 0)),
        ],
        out_specs=pl.BlockSpec((1, HB, S, D), lambda b, h: (b, h, 0, 0)),
        out_shape=jax.ShapeDtypeStruct(x.shape, x.dtype),
    )(x, m2)


def kernel(x, smooth, top_k_indices):
    ones = jnp.ones((FLAT,), jnp.float32)
    m = _sc_build_table(smooth.astype(jnp.float32), top_k_indices, ones)
    _, H, _, D = x.shape
    return _tc_scale(x, m.reshape(H, D))

# --- scband reference (transcript-rebuilt; emitter-appended) ---
"""Pipeline reference for scband-post-smooth-layer-80290118632062 (READ-ONLY COPY).

The authoritative reference and input builder live on the scoring server;
editing this copy changes nothing except your own understanding.
"""

import jax, jax.numpy as jnp
import numpy as np

HIDDEN_DIM = 2048
TOP_K = 1


def setup_inputs(seed: int = 0) -> dict:
    key = jax.random.key(seed)
    x = jax.random.normal(key, (2, 16, 4096, 128), dtype=jnp.float32)
    # buffers as initialized by the torch module: ones
    smooth = jnp.ones((2 * HIDDEN_DIM * TOP_K,), dtype=jnp.bfloat16)
    top_k_indices = jnp.ones((2 * HIDDEN_DIM * TOP_K,), dtype=jnp.int32)
    return {"x": x, "smooth": smooth, "top_k_indices": top_k_indices}


def reference(x, smooth, top_k_indices):
    B, H, S, D = x.shape
    # x.transpose(1, 2).reshape(B, S, -1)
    xr = jnp.transpose(x, (0, 2, 1, 3)).reshape(B, S, H * D)
    # x[:, :, idx] = x[:, :, idx] * smooth
    gathered = xr[:, :, top_k_indices]
    updated = gathered * smooth.astype(xr.dtype)
    xr = xr.at[:, :, top_k_indices].set(updated)
    # reshape back and transpose
    out = xr.reshape(B, S, H, D)
    out = jnp.transpose(out, (0, 2, 1, 3))
    return out

if __name__ == "__main__":
    import jax
    _d = setup_inputs()
    print(jax.jit(kernel)(*tuple(_d.values())))

</pallas_src>

<mosaic_0001>
#map = affine_map<(d0, d1) -> (0)>
module attributes {stable_mosaic.version = 14 : i64} {
  func.func @build(%arg0: i32, %arg1: i32, %arg2: memref<4096xf32, #tpu.memory_space<hbm>>, %arg3: memref<4096xi32, #tpu.memory_space<hbm>>, %arg4: memref<2048xf32, #tpu.memory_space<hbm>>, %arg5: memref<2048xf32, #tpu.memory_space<hbm>>, %arg6: memref<4096xi32, #tpu.memory_space<vmem>>, %arg7: memref<4096xf32, #tpu.memory_space<vmem>>, %arg8: memref<2048xf32, #tpu.memory_space<vmem>>, %arg9: memref<!tpu.dma_semaphore, #tpu.memory_space<semaphore_mem>>, %arg10: memref<!tpu.dma_semaphore, #tpu.memory_space<semaphore_mem>>, %arg11: memref<!tpu.dma_semaphore, #tpu.memory_space<semaphore_mem>>) attributes {dimension_semantics = [#tpu.dimension_semantics<core_parallel>, #tpu.dimension_semantics<subcore_parallel>], iteration_bounds = array<i64: 2, 16>, scalar_prefetch = 0 : i64, scratch_operands = 6 : i64, tpu.core_type = #tpu.core_type<sc_vector_subcore>, window_params = [{transform_indices = #map}, {transform_indices = #map}, {transform_indices = #map}, {transform_indices = #map}]} {
    %eq3A = arith.constant 0 : i32
    %eq3A_0 = arith.cmpi eq, %arg0, %eq3A : i32
    %eq3A_1 = arith.constant 0 : i32
    %eq3A_2 = arith.cmpi eq, %arg1, %eq3A_1 : i32
    %and3A = arith.andi %eq3A_0, %eq3A_2 : i1
    %convert_element_type3A = arith.extui %and3A : i1 to i32
    %cond3A = arith.constant 0 : i32
    %cond3A_3 = arith.cmpi ne, %convert_element_type3A, %cond3A : i32
    scf.if %cond3A_3 {
      tpu.enqueue_dma source(%arg3 : memref<4096xi32, #tpu.memory_space<hbm>>) target(%arg6 : memref<4096xi32, #tpu.memory_space<vmem>>) target_semaphore(%arg9 : memref<!tpu.dma_semaphore, #tpu.memory_space<semaphore_mem>>)
      tpu.enqueue_dma source(%arg2 : memref<4096xf32, #tpu.memory_space<hbm>>) target(%arg7 : memref<4096xf32, #tpu.memory_space<vmem>>) target_semaphore(%arg10 : memref<!tpu.dma_semaphore, #tpu.memory_space<semaphore_mem>>)
      tpu.enqueue_dma source(%arg4 : memref<2048xf32, #tpu.memory_space<hbm>>) target(%arg8 : memref<2048xf32, #tpu.memory_space<vmem>>) target_semaphore(%arg11 : memref<!tpu.dma_semaphore, #tpu.memory_space<semaphore_mem>>)
      tpu.wait_dma2 semaphore(%arg9 : memref<!tpu.dma_semaphore, #tpu.memory_space<semaphore_mem>>) src(%arg3 : memref<4096xi32, #tpu.memory_space<hbm>>) dst(%arg6 : memref<4096xi32, #tpu.memory_space<vmem>>)
      tpu.wait_dma2 semaphore(%arg10 : memref<!tpu.dma_semaphore, #tpu.memory_space<semaphore_mem>>) src(%arg2 : memref<4096xf32, #tpu.memory_space<hbm>>) dst(%arg7 : memref<4096xf32, #tpu.memory_space<vmem>>)
      tpu.wait_dma2 semaphore(%arg11 : memref<!tpu.dma_semaphore, #tpu.memory_space<semaphore_mem>>) src(%arg4 : memref<2048xf32, #tpu.memory_space<hbm>>) dst(%arg8 : memref<2048xf32, #tpu.memory_space<vmem>>)
      %scan3A = arith.constant 0 : i32
      %scan3A_4 = arith.constant 0 : i32
      %scan3A_5 = arith.constant 32 : i32
      %scan3A_6 = arith.addi %scan3A_4, %scan3A_5 : i32
      %scan3A_7 = arith.constant 1 : i32
      scf.for %scan3A_9 = %scan3A_4 to %scan3A_6 step %scan3A_7  : i32 {
        %mul3A = arith.constant 128 : i32
        %mul3A_10 = arith.muli %scan3A_9, %mul3A : i32
        %add3A = arith.constant 0 : i32
        %add3A_11 = arith.addi %mul3A_10, %add3A : i32
        %get3A = arith.index_cast %add3A_11 : i32 to index
        %get3A_12 = tpu.vector_load %arg6[%get3A] {strides = array<i32>} : memref<4096xi32, #tpu.memory_space<vmem>>, vector<16xi32>,
        %add3A_13 = arith.constant 0 : i32
        %add3A_14 = arith.addi %mul3A_10, %add3A_13 : i32
        %get3A_15 = arith.index_cast %add3A_14 : i32 to index
        %get3A_16 = tpu.vector_load %arg7[%get3A_15] {strides = array<i32>} : memref<4096xf32, #tpu.memory_space<vmem>>, vector<16xf32>,
        tpu.vector_store_idx %arg8[%get3A_12], %get3A_16 : memref<2048xf32, #tpu.memory_space<vmem>>[vector<16xi32>], vector<16xf32>,
        %add3A_17 = arith.constant 16 : i32
        %add3A_18 = arith.addi %mul3A_10, %add3A_17 : i32
        %get3A_19 = arith.index_cast %add3A_18 : i32 to index
        %get3A_20 = tpu.vector_load %arg6[%get3A_19] {strides = array<i32>} : memref<4096xi32, #tpu.memory_space<vmem>>, vector<16xi32>,
        %add3A_21 = arith.constant 16 : i32
        %add3A_22 = arith.addi %mul3A_10, %add3A_21 : i32
        %get3A_23 = arith.index_cast %add3A_22 : i32 to index
        %get3A_24 = tpu.vector_load %arg7[%get3A_23] {strides = array<i32>} : memref<4096xf32, #tpu.memory_space<vmem>>, vector<16xf32>,
        tpu.vector_store_idx %arg8[%get3A_20], %get3A_24 : memref<2048xf32, #tpu.memory_space<vmem>>[vector<16xi32>], vector<16xf32>,
        %add3A_25 = arith.constant 32 : i32
        %add3A_26 = arith.addi %mul3A_10, %add3A_25 : i32
        %get3A_27 = arith.index_cast %add3A_26 : i32 to index
        %get3A_28 = tpu.vector_load %arg6[%get3A_27] {strides = array<i32>} : memref<4096xi32, #tpu.memory_space<vmem>>, vector<16xi32>,
        %add3A_29 = arith.constant 32 : i32
        %add3A_30 = arith.addi %mul3A_10, %add3A_29 : i32
        %get3A_31 = arith.index_cast %add3A_30 : i32 to index
        %get3A_32 = tpu.vector_load %arg7[%get3A_31] {strides = array<i32>} : memref<4096xf32, #tpu.memory_space<vmem>>, vector<16xf32>,
        tpu.vector_store_idx %arg8[%get3A_28], %get3A_32 : memref<2048xf32, #tpu.memory_space<vmem>>[vector<16xi32>], vector<16xf32>,
        %add3A_33 = arith.constant 48 : i32
        %add3A_34 = arith.addi %mul3A_10, %add3A_33 : i32
        %get3A_35 = arith.index_cast %add3A_34 : i32 to index
        %get3A_36 = tpu.vector_load %arg6[%get3A_35] {strides = array<i32>} : memref<4096xi32, #tpu.memory_space<vmem>>, vector<16xi32>,
        %add3A_37 = arith.constant 48 : i32
        %add3A_38 = arith.addi %mul3A_10, %add3A_37 : i32
        %get3A_39 = arith.index_cast %add3A_38 : i32 to index
        %get3A_40 = tpu.vector_load %arg7[%get3A_39] {strides = array<i32>} : memref<4096xf32, #tpu.memory_space<vmem>>, vector<16xf32>,
        tpu.vector_store_idx %arg8[%get3A_36], %get3A_40 : memref<2048xf32, #tpu.memory_space<vmem>>[vector<16xi32>], vector<16xf32>,
        %add3A_41 = arith.constant 64 : i32
        %add3A_42 = arith.addi %mul3A_10, %add3A_41 : i32
        %get3A_43 = arith.index_cast %add3A_42 : i32 to index
        %get3A_44 = tpu.vector_load %arg6[%get3A_43] {strides = array<i32>} : memref<4096xi32, #tpu.memory_space<vmem>>, vector<16xi32>,
        %add3A_45 = arith.constant 64 : i32
        %add3A_46 = arith.addi %mul3A_10, %add3A_45 : i32
        %get3A_47 = arith.index_cast %add3A_46 : i32 to index
        %get3A_48 = tpu.vector_load %arg7[%get3A_47] {strides = array<i32>} : memref<4096xf32, #tpu.memory_space<vmem>>, vector<16xf32>,
        tpu.vector_store_idx %arg8[%get3A_44], %get3A_48 : memref<2048xf32, #tpu.memory_space<vmem>>[vector<16xi32>], vector<16xf32>,
        %add3A_49 = arith.constant 80 : i32
        %add3A_50 = arith.addi %mul3A_10, %add3A_49 : i32
        %get3A_51 = arith.index_cast %add3A_50 : i32 to index
        %get3A_52 = tpu.vector_load %arg6[%get3A_51] {strides = array<i32>} : memref<4096xi32, #tpu.memory_space<vmem>>, vector<16xi32>,
        %add3A_53 = arith.constant 80 : i32
        %add3A_54 = arith.addi %mul3A_10, %add3A_53 : i32
        %get3A_55 = arith.index_cast %add3A_54 : i32 to index
        %get3A_56 = tpu.vector_load %arg7[%get3A_55] {strides = array<i32>} : memref<4096xf32, #tpu.memory_space<vmem>>, vector<16xf32>,
        tpu.vector_store_idx %arg8[%get3A_52], %get3A_56 : memref<2048xf32, #tpu.memory_space<vmem>>[vector<16xi32>], vector<16xf32>,
        %add3A_57 = arith.constant 96 : i32
        %add3A_58 = arith.addi %mul3A_10, %add3A_57 : i32
        %get3A_59 = arith.index_cast %add3A_58 : i32 to index
        %get3A_60 = tpu.vector_load %arg6[%get3A_59] {strides = array<i32>} : memref<4096xi32, #tpu.memory_space<vmem>>, vector<16xi32>,
        %add3A_61 = arith.constant 96 : i32
        %add3A_62 = arith.addi %mul3A_10, %add3A_61 : i32
        %get3A_63 = arith.index_cast %add3A_62 : i32 to index
        %get3A_64 = tpu.vector_load %arg7[%get3A_63] {strides = array<i32>} : memref<4096xf32, #tpu.memory_space<vmem>>, vector<16xf32>,
        tpu.vector_store_idx %arg8[%get3A_60], %get3A_64 : memref<2048xf32, #tpu.memory_space<vmem>>[vector<16xi32>], vector<16xf32>,
        %add3A_65 = arith.constant 112 : i32
        %add3A_66 = arith.addi %mul3A_10, %add3A_65 : i32
        %get3A_67 = arith.index_cast %add3A_66 : i32 to index
        %get3A_68 = tpu.vector_load %arg6[%get3A_67] {strides = array<i32>} : memref<4096xi32, #tpu.memory_space<vmem>>, vector<16xi32>,
        %add3A_69 = arith.constant 112 : i32
        %add3A_70 = arith.addi %mul3A_10, %add3A_69 : i32
        %get3A_71 = arith.index_cast %add3A_70 : i32 to index
        %get3A_72 = tpu.vector_load %arg7[%get3A_71] {strides = array<i32>} : memref<4096xf32, #tpu.memory_space<vmem>>, vector<16xf32>,
        tpu.vector_store_idx %arg8[%get3A_68], %get3A_72 : memref<2048xf32, #tpu.memory_space<vmem>>[vector<16xi32>], vector<16xf32>,
      }
      %scan3A_8 = arith.constant 32 : i32
      "tpu.region"() ({
        %run_scoped3A = tpu.sem_alloc : memref<!tpu.dma_semaphore, #tpu.memory_space<semaphore_mem>>
        tpu.enqueue_dma source(%arg8 : memref<2048xf32, #tpu.memory_space<vmem>>) target(%arg5 : memref<2048xf32, #tpu.memory_space<hbm>>) target_semaphore(%run_scoped3A : memref<!tpu.dma_semaphore, #tpu.memory_space<semaphore_mem>>)
        tpu.wait_dma2 semaphore(%run_scoped3A : memref<!tpu.dma_semaphore, #tpu.memory_space<semaphore_mem>>) src(%arg8 : memref<2048xf32, #tpu.memory_space<vmem>>) dst(%arg5 : memref<2048xf32, #tpu.memory_space<hbm>>)
        tpu.yield
      }) : () -> ()
    } else {
    }
    return
  }
}

module attributes {stable_mosaic.version = 14 : i64} {
  func.func @body(%arg0: i32, %arg1: i32, %arg2: memref<1x4x4096x128xf32, #tpu.memory_space<vmem>>, %arg3: memref<16x128xf32, #tpu.memory_space<vmem>>, %arg4: memref<1x4x4096x128xf32, #tpu.memory_space<vmem>>) attributes {dimension_semantics = [#tpu.dimension_semantics<arbitrary>, #tpu.dimension_semantics<arbitrary>], iteration_bounds = array<i64: 2, 4>, scalar_prefetch = 0 : i64, scratch_operands = 0 : i64, tpu.core_type = #tpu.core_type<tc>, window_params = [{transform_indices = @transform_0, window_bounds = array<i64: 1, 4, 4096, 128>}, {pipeline_mode = #tpu.pipeline_mode<synchronous>, transform_indices = @transform_1, window_bounds = array<i64: 16, 128>}, {transform_indices = @transform_2, window_bounds = array<i64: 1, 4, 4096, 128>}]} {
    %mul3A = arith.constant 4 : i32
    %mul3A_0 = arith.muli %arg1, %mul3A : i32
    %get3A = arith.index_cast %mul3A_0 : i32 to index
    %get3A_1 = arith.constant 0 : index
    %get3A_2 = vector.load %arg3[%get3A, %get3A_1] : memref<16x128xf32, #tpu.memory_space<vmem>>, vector<4x128xf32>
    %reshape3A = vector.shape_cast %get3A_2 : vector<4x128xf32> to vector<1x4x1x128xf32>
    %get3A_3 = arith.constant 0 : index
    %get3A_4 = arith.constant 0 : index
    %get3A_5 = arith.constant 0 : index
    %get3A_6 = arith.constant 0 : index
    %get3A_7 = vector.load %arg2[%get3A_3, %get3A_4, %get3A_5, %get3A_6] : memref<1x4x4096x128xf32, #tpu.memory_space<vmem>>, vector<1x4x4096x128xf32>
    %mul3A_8 = vector.broadcast %reshape3A : vector<1x4x1x128xf32> to vector<1x4x4096x128xf32>
    %mul3A_9 = arith.mulf %get3A_7, %mul3A_8 : vector<1x4x4096x128xf32>
    %swap3A = arith.constant 0 : index
    %swap3A_10 = arith.constant 0 : index
    %swap3A_11 = arith.constant 0 : index
    %swap3A_12 = arith.constant 0 : index
    %swap3A_13 = vector.load %arg4[%swap3A, %swap3A_10, %swap3A_11, %swap3A_12] : memref<1x4x4096x128xf32, #tpu.memory_space<vmem>>, vector<1x4x4096x128xf32>
    tpu.vector_store %arg4[%swap3A, %swap3A_10, %swap3A_11, %swap3A_12], %mul3A_9 {strides = array<i32>} : memref<1x4x4096x128xf32, #tpu.memory_space<vmem>>, vector<1x4x4096x128xf32>,
    return
  }
  func.func @transform_0(%arg0: i32, %arg1: i32) -> (i32, i32, i32, i32) {
    %c0_i32 = arith.constant 0 : i32
    %c0_i32_0 = arith.constant 0 : i32
    %c0_i32_1 = arith.constant 0 : i32
    return %arg0, %arg1, %c0_i32, %c0_i32_0 : i32, i32, i32, i32
  }
  func.func @transform_1(%arg0: i32, %arg1: i32) -> (i32, i32) {
    %c0_i32 = arith.constant 0 : i32
    %c0_i32_0 = arith.constant 0 : i32
    %c0_i32_1 = arith.constant 0 : i32
    return %c0_i32, %c0_i32_0 : i32, i32
  }
  func.func @transform_2(%arg0: i32, %arg1: i32) -> (i32, i32, i32, i32) {
    %c0_i32 = arith.constant 0 : i32
    %c0_i32_0 = arith.constant 0 : i32
    %c0_i32_1 = arith.constant 0 : i32
    return %arg0, %arg1, %c0_i32, %c0_i32_0 : i32, i32, i32, i32
  }
}

</mosaic_0001>

<sc_bundles>
// kernel: kernel.4.cloned.1.call-start
scs
__scs_entry_jumppad:
0x0: {  	(pc) =	sbr.rel $0x88, $3  }
0x1: {  	(tag) =	ssettag $0x0;
	lr =	simm.s32 $0x1  }
0x2: {  	[smem:$0x3F9E] =	sst lr;
	_ =	strace $0xD0000000  }
0x3: {  	_ = 	snop  }
0x4: {  	_ = 	snop  }
0x5: {  	_ = 	snop  }
0x6: {  	_ = 	snop  }
0x7: {  	_ = 	snop  }
__scs_overlays_trampoline_lowered:
0x8: {  	[smem:$0x3FAD] =	sst s0  }
0x9: {  	[smem:$0x3FAE] =	sst s1  }
0xa: {  	[smem:$0x3FAF] =	sst s2  }
0xb: {  	[smem:$0x3FB0] =	sst s3  }
0xc: {  	[smem:$0x3FB1] =	sst s4  }
0xd: {  	[smem:$0x3FB2] =	sst s5  }
0xe: {  	[smem:$0x3FB3] =	sst s6  }
0xf: {  	[smem:$0x3FB4] =	sst s7  }
0x10: {  	[smem:$0x3FB5] =	sst s8  }
0x11: {  	[smem:$0x3FB6] =	sst s9;
	s0 =	simm.s32 @!p0 $0x0  }
0x12: {  	s1 =	sld [smem:$0x3F9C];
	s0 =	simm.s32 @p0 $0x1  }
0x13: {  	[smem:$0x3FB7] =	sst s0;
	s0 =	simm.s32 @!p1 $0x0  }
0x14: {  	s2 =	sld [smem:$0x3F9B];
	s0 =	simm.s32 @p1 $0x1  }
0x15: {  	[smem:$0x3FB8] =	sst s0;
	s0 =	simm.s32 @!p2 $0x0  }
0x16: {  	s3 =	sld [smem:$0x3FDB];
	s0 =	simm.s32 @p2 $0x1  }
0x17: {  	s4 =	simm.s32 $0x1BF5;
	[smem:$0x3FBA] =	sst s0  }
0x18: {  	s0 =	sld [smem:$0x3F9D];
	_ =	swait.ge [sflag:s4], $0x0  }
0x19: {  	s7 =	sld [smem:$0x3F9E]  }
0x1a: {  	s8 =	sadd.s32 $0xFFFFE003, lr  }
0x1b: {  	s9 =	sadd.s32 $0xFFFFFEF7, lr;
	s5 =	simm.s32 $0xFFFFFFFF;
	p2 =	slt.u32 s8, $0xFFFFF086  }
0x1c: {  	p1 =	slt.u32 s9, $0xF7A;
	s5 =	simm.s32 @!p2 $0x0  }
0x1d: {  	s5 =	simm.s32 @p1 $0x1;
	p0 =	seq.s32 s7, s2  }
0x1e: {  	s7 =	smul.u32 @!p0 $0xF7A, s2;
	p2 =	seq.s32 @!p0 s5, $0x0  }
0x1f: {  	s9 =	smul.u32 $0xF7A, s1;
	s8 =	simm.s32 @!p0 $0x1BF5;
	p2 =	por !p2, p0  }
0x20: {  	[sflag:s8] =	ssyncset.s32 @!p0 $0xFFFFF086;
	s6 =	sadd.s32 @!p0 s3, s7;
	s7 =	simm.s32 @!p0 $0x108  }
0x21: {  	s3 =	sadd.s32 s3, s9;
	s6 =	sadd.s32 @!p0 $0x88, s6;
	s7 =	simm.s32 @p2 $0x1082  }
0x22: {  	[simem:s7], [sflag:s8] =	dma.local @!p0 [hbm:s6], $0xF7A  }
0x23: {  	s9 =	sor.u32 $0xD0000000, s2;
	s6 =	simm.s32 $0x108;
	_ =	swait.ge @!p0 [sflag:s8], $0x0  }
0x24: {  	s3 =	sadd.s32 $0x88, s3;
	s6 =	simm.s32 @!p1 $0x1082;
	[sflag:s4] =	ssyncset.s32 $0xFFFFF086  }
0x25: {  	[simem:s6], [sflag:s4] =	dma.local [hbm:s3], $0xF7A  }
0x26: {  	[smem:$0x3F9E] =	sst s1;
	(tag) =	ssettag s2;
	_ =	strace s9  }
0x27: {  	s1 =	sld [smem:$0x3FAE]  }
0x28: {  	s2 =	sld [smem:$0x3FAF]  }
0x29: {  	s4 =	sld [smem:$0x3FB1]  }
0x2a: {  	p0 =	seq.s32 s5, $0x0;
	s5 =	sld [smem:$0x3FB2]  }
0x2b: {  	s6 =	sld [smem:$0x3FB3]  }
0x2c: {  	s7 =	sld [smem:$0x3FB4]  }
0x2d: {  	s3 =	simm.s32 $0x108;
	s8 =	sld [smem:$0x3FB5]  }
0x2e: {  	s3 =	simm.s32 @!p0 $0x1082;
	s9 =	sld [smem:$0x3FB6]  }
0x2f: {  	lr =	sadd.s32 s0, s3;
	s0 =	sld [smem:$0x3FAD]  }
0x30: {  	s3 =	sld [smem:$0x3FB0]  }
0x31: {  	[smem:$0x3FB9] =	sst s10  }
0x32: {  	s10 =	sld [smem:$0x3FB7];
	_ =	sdelay $0x3  }
0x33: {  	p0 =	seq.s32 s10, $0x1;
	s10 =	sld [smem:$0x3FB9];
	_ =	sdelay $0x3  }
0x34: {  	[smem:$0x3FB9] =	sst s10  }
0x35: {  	s10 =	sld [smem:$0x3FB8];
	_ =	sdelay $0x3  }
0x36: {  	p1 =	seq.s32 s10, $0x1;
	s10 =	sld [smem:$0x3FB9];
	_ =	sdelay $0x3  }
0x37: {  	[smem:$0x3FB9] =	sst s10  }
0x38: {  	s10 =	sld [smem:$0x3FBA]  }
0x39: {  	_ = 	snop;
	(pc) =	sbr.ind lr, $3  }
0x3a: {  	_ = 	snop  }
0x3b: {  	_ = 	snop  }
0x3c: {  	p2 =	seq.s32 s10, $0x1;
	s10 =	sld [smem:$0x3FB9]  }
0x3d: {  	_ =	shalt  }
0x3e: {  	_ =	shalt  }
0x3f: {  	_ =	shalt  }
0x40: {  	_ =	shalt  }
0x41: {  	_ =	shalt  }
0x42: {  	_ =	shalt  }
0x43: {  	_ =	shalt  }
0x44: {  	_ =	shalt  }
0x45: {  	_ =	shalt  }
0x46: {  	_ =	shalt  }
0x47: {  	_ =	shalt  }
0x48: {  	_ =	shalt  }
0x49: {  	_ =	shalt  }
0x4a: {  	_ =	shalt  }
0x4b: {  	_ =	shalt  }
0x4c: {  	_ =	shalt  }
0x4d: {  	_ =	shalt  }
0x4e: {  	_ =	shalt  }
0x4f: {  	_ =	shalt  }
0x50: {  	_ =	shalt  }
0x51: {  	_ =	shalt  }
0x52: {  	_ =	shalt  }
0x53: {  	_ =	shalt  }
0x54: {  	_ =	shalt  }
0x55: {  	_ =	shalt  }
0x56: {  	_ =	shalt  }
0x57: {  	_ =	shalt  }
0x58: {  	_ =	shalt  }
0x59: {  	_ =	shalt  }
0x5a: {  	_ =	shalt  }
0x5b: {  	_ =	shalt  }
0x5c: {  	_ =	shalt  }
0x5d: {  	_ =	shalt  }
0x5e: {  	_ =	shalt  }
0x5f: {  	_ =	shalt  }
0x60: {  	_ =	shalt  }
0x61: {  	_ =	shalt  }
0x62: {  	_ =	shalt  }
0x63: {  	_ =	shalt  }
0x64: {  	_ =	shalt  }
0x65: {  	_ =	shalt  }
0x66: {  	_ =	shalt  }
0x67: {  	_ =	shalt  }
0x68: {  	_ =	shalt  }
0x69: {  	_ =	shalt  }
0x6a: {  	_ =	shalt  }
0x6b: {  	_ =	shalt  }
0x6c: {  	_ =	shalt  }
0x6d: {  	_ =	shalt  }
0x6e: {  	_ =	shalt  }
0x6f: {  	_ =	shalt  }
0x70: {  	_ =	shalt  }
0x71: {  	_ =	shalt  }
0x72: {  	_ =	shalt  }
0x73: {  	_ =	shalt  }
0x74: {  	_ =	shalt  }
0x75: {  	_ =	shalt  }
0x76: {  	_ =	shalt  }
0x77: {  	_ =	shalt  }
0x78: {  	_ =	shalt  }
0x79: {  	_ =	shalt  }
0x7a: {  	_ =	shalt  }
0x7b: {  	_ =	shalt  }
0x7c: {  	_ =	shalt  }
0x7d: {  	_ =	shalt  }
0x7e: {  	_ =	shalt  }
0x7f: {  	_ =	shalt  }
0x80: {  	_ =	shalt  }
0x81: {  	_ =	shalt  }
0x82: {  	_ =	shalt  }
0x83: {  	_ =	shalt  }
0x84: {  	_ =	shalt  }
0x85: {  	_ =	shalt  }
0x86: {  	_ =	shalt  }
0x87: {  	_ =	shalt  }
.Lfunc_end0:
.L_simem_size_0:
called_computation_lowered:
.L_overlay_start_0:
0x88: {  	s2 =	sld [smem:$0x3FD9]  }
0x89: {  	s3 =	sld [smem:$0x3FFE];
	_ =	sdelay $0x1  }
0x8a: {  	s1 =	srdreg.scid  }
0x8b: {  	s0 =	sand.u32 $0x1, s1  }
0x8c: {  	s17 =	sshll.u32 s0, $0xA;
	s2 =	sadd.s32 s3, s2  }
0x8d: {  	s2 =	sadd.s32 s2, s17  }
0x8e: {  	[smem:$0x3FC5] =	sst s2  }
0x8f: {  	_ = 	snop  }
0x90: {  	s2 =	sld [smem:$0x3FC7]  }
0x91: {  	s18 =	sld [smem:$0x3FD0];
	(tm) =	ssettm $0x1  }
0x92: {  	s4 =	sld [smem:$0x3FFB];
	_ =	sdelay $0x3  }
0x93: {  	_ =	strace s4  }
0x94: {  	s4 =	sld [smem:$0x3FFC];
	_ =	sdelay $0x3  }
0x95: {  	_ =	strace s4  }
0x96: {  	s4 =	sld [smem:$0x3FFD];
	_ =	sdelay $0x3  }
0x97: {  	_ =	strace s4  }
0x98: {  	_ =	strace $0x8FFFFFFF  }
0x99: {  	s19 =	sld [smem:$0x3FDB];
	_ =	sdelay $0x1  }
0x9a: {  	s5 =	simm.s32 $_scs_section_size  }
0x9b: {  	s6 =	simm.s32 $_size__tile_overlayer_lowered;
	s7 =	simm.s32 $_tile_overlayer_lowered  }
0x9c: {  	s22 =	simm.s32 $0x1BFF;
	s21 =	sshll.u32 s7, $0x1;
	s4 =	sadd.s32 s5, s19  }
0x9d: {  	s8 =	simm.s32 $0x0;
	s20 =	sshll.u32 s6, $0x1;
	s6 =	sadd.s32 s21, s4  }
0x9e: {  	[timem:s8], [sflag:s22] =	dma.local [hbm:s6], s20  }
0x9f: {  	_ =	swait.ge [sflag:s22], s20  }
0xa0: {  	s5 =	ssub.s32 $0x0, s20;
	[sflag:s22] =	ssyncset.done $0x0  }
0xa1: {  	[sflag:s22] =	ssyncadd.s32 s5;
	_ =	sdelay $0x1  }
0xa2: {  	s23 =	simm.s32 $0x1B8B  }
0xa3: {  	_ =	swait.ge [sflag:s23], $0x1  }
0xa4: {  	[sflag:s23] =	ssyncset.done $0x0  }
0xa5: {  	s25 =	simm.s32 $0x1B8E;
	s24 =	sld [smem:$0x3FFE];
	[sflag:s23] =	ssyncadd.s32 $0xFFFFFFFF  }
0xa6: {  	s26 =	simm.s32 $execute0_lowered;
	[smem:$0x3FD2] =	sst s25  }
0xa7: {  	s6 =	sshll.u32 s26, $0x1;
	_ =	strace $0x80000046;
	[dreg:$0x1] =	wrdreg $0xFFFFFFFF  }
0xa8: {  	s28 =	simm.s32 $_size_execute0_lowered;
	s4 =	sadd.s32 s4, s6;
	[dreg:$0x0] =	wrdreg $0x0  }
0xa9: {  	s6 =	sshll.u32 s28, $0x1;
	[dreg:$0x2] =	wrdreg s4  }
0xaa: {  	[dreg:$0x3] =	wrdreg s6  }
0xab: {  	[dreg:$0x4] =	wrdreg $0xC0  }
0xac: {  	_ =	task [dreg:s8], $0x5FFFF  }
0xad: {  	[dreg:$0x1] =	wrdreg $0xFFFFFFFF  }
0xae: {  	[dreg:$0x0] =	wrdreg $0x60  }
0xaf: {  	[dreg:$0x2] =	wrdreg s18  }
0xb0: {  	[dreg:$0x3] =	wrdreg s2  }
0xb1: {  	[dreg:$0x4] =	wrdreg s24  }
0xb2: {  	[dreg:$0x5] =	wrdreg $0x9  }
0xb3: {  	_ =	task.clear_ibuf [dreg:s8], $0x6FFFF;
	_ =	strace $0x90000046  }
0xb4: {  	s29 =	simm.s32 $0x9;
	_ =	strace $0x80000048  }
0xb5: {  	_ =	swait.ge [sflag:s29], $0x1  }
0xb6: {  	[sflag:s29] =	ssyncadd.s32 $0xFFFFFFFF  }
0xb7: {  	_ =	strace $0x90000048  }
0xb8: {  	_ =	sfence  }
0xb9: {  	s30 =	sld [smem:$0x0];
	_ =	sdelay $0x2  }
0xba: {  	s31 =	sshll.u32 s1, $0xD;
	s1 =	sshrl.u32 s1, $0x2  }
0xbb: {  	s3 =	sand.u32 $0x4000, s31;
	s1 =	sadd.s32 s1, s30  }
0xbc: {  	s0 =	sor.u32 s3, s0;
	s1 =	sshll.u32 s1, $0x11  }
0xbd: {  	s0 =	sor.u32 s1, s0  }
0xbe: {  	s0 =	sadd.s32 $0x8F2B, s0  }
0xbf: {  	[sflag:s0] =	ssyncadd.remote.s32 $0x1  }
0xc0: {  	_ =	sfence.sel $0xFFFF  }
0xc1: {  	[dreg:$0x0] =	wrdreg $0xFFFFFFFF;
	(pc) =	sbr.abs _section_cstart, $3  }
0xc2: {  	[dreg:$0x1] =	wrdreg $0xFFFFFFFF  }
0xc3: {  	_ =	task.clear_ibuf [dreg:s8], $0x2FFFF;
	_ =	strace $0x9FFFFFFF  }
0xc4: {  	(tm) =	ssettm $0x7FFFFFFF  }
0xc5: {  	_ =	shalt  }
tec
execute0_lowered:
.L_overlay_start_1:
0x0: {  	(tag) =	ssettag $0x1  }
0x1: {  	s0 =	srdreg.scid  }
0x2: {  	s4 =	sand.u32 $0x1, s0;
	s0 =	stileid.u32  }
0x3: {  	s6 =	sor.u32 s0, s4  }
0x4: {  	p0 =	sne.s32 s6, $0x0  }
.Ltmp0:
0x5: {  	_ = 	snop;
	(pc) =	sbr.rel @p0 .LBB2_5-.Ltmp0, $4  }
0x6: {  	s1 =	rddreg [dreg:$0x0]  }
0x7: {  	s3 =	rddreg [dreg:$0x1]  }
0x8: {  	s5 =	rddreg [dreg:$0x2]  }
0x9: {  	s2 =	rddreg [dreg:$0x3];
	_ =	strace $0x80000047  }
0xa: {  	s6 =	ssub.s32 $0x2, s4  }
0xb: {  	s4 =	sadd.s32 $0x600, s5;
	s5 =	sadd.s32 $0x800, s5;
	s8 =	simm.s32 $0x1000  }
0xc: {  	s9 =	simm.s32 $0x2000;
	s10 =	simm.s32 $0x1;
	s11 =	simm.s32 $0x2  }
0xd: {  	s12 =	simm.s32 $0x3;
	s13 =	simm.s32 $0x4;
	s7 =	sshrl.u32 s6, $0x1  }
0xe: {  	s14 =	simm.s32 $0x0;
	s6 =	ssub.s32 s6, s7;
	s7 =	simm.s32 $0x0  }
.LBB2_2:
0xf: {  	[tilespmem:s7], [sflag:$0x1] =	stream.linear.gather [hbm4b:s3+s7], $0x1000, $0x38;
	[tilespmem:$0x2800] =	vst v63  }
0x10: {  	_ = 	snop  }
0x11: {  	[tilespmem:s8], [sflag:$0x2] =	stream.linear.gather [hbm4b:s1+s7], $0x1000, $0x38;
	[tilespmem:$0x2800] =	vst v63  }
0x12: {  	_ = 	snop  }
0x13: {  	[tilespmem:s9], [sflag:$0x3] =	stream.linear.gather [hbm4b:s4+s7], $0x800, $0x38;
	[tilespmem:$0x2800] =	vst v63  }
0x14: {  	_ =	swait.ge [sflag:s10], $0x1000  }
0x15: {  	[sflag:s10] =	ssyncset.done $0x0  }
0x16: {  	[sflag:s10] =	ssyncadd.s32 $0xFFFFF000  }
0x17: {  	_ =	swait.ge [sflag:s11], $0x1000  }
0x18: {  	[sflag:s11] =	ssyncset.done $0x0  }
0x19: {  	[sflag:s11] =	ssyncadd.s32 $0xFFFFF000  }
0x1a: {  	_ =	swait.ge [sflag:s12], $0x800  }
0x1b: {  	[sflag:s12] =	ssyncset.done $0x0  }
0x1c: {  	s15 =	simm.s32 $0x0;
	[sflag:s12] =	ssyncadd.s32 $0xFFFFF800  }
.LBB2_3:
0x1d: {  	s16 =	sshra.s32 s15, $0x2  }
0x1e: {  	v0 =	vld [tilespmem:s16+$0x0];
	_ =	sdelay $0x2  }
0x1f: {  	v1 =	vld [tilespmem:s16+$0x1000];
	_ =	sdelay $0x4  }
0x20: {  	[tilespmem:v0+s9+$0x0] =	vst.idx.msk $0xffff, v1  }
0x21: {  	v0 =	vld [tilespmem:s16+$0x10];
	_ =	sdelay $0x2  }
0x22: {  	v1 =	vld [tilespmem:s16+$0x1010];
	_ =	sdelay $0x4  }
0x23: {  	[tilespmem:v0+s9+$0x0] =	vst.idx.msk $0xffff, v1  }
0x24: {  	v0 =	vld [tilespmem:s16+$0x20];
	_ =	sdelay $0x2  }
0x25: {  	v1 =	vld [tilespmem:s16+$0x1020];
	_ =	sdelay $0x4  }
0x26: {  	[tilespmem:v0+s9+$0x0] =	vst.idx.msk $0xffff, v1  }
0x27: {  	v0 =	vld [tilespmem:s16+$0x30];
	_ =	sdelay $0x2  }
0x28: {  	v1 =	vld [tilespmem:s16+$0x1030];
	_ =	sdelay $0x4  }
0x29: {  	[tilespmem:v0+s9+$0x0] =	vst.idx.msk $0xffff, v1  }
0x2a: {  	v0 =	vld [tilespmem:s16+$0x40];
	_ =	sdelay $0x2  }
0x2b: {  	v1 =	vld [tilespmem:s16+$0x1040];
	_ =	sdelay $0x4  }
0x2c: {  	[tilespmem:v0+s9+$0x0] =	vst.idx.msk $0xffff, v1  }
0x2d: {  	v0 =	vld [tilespmem:s16+$0x50];
	_ =	sdelay $0x2  }
0x2e: {  	v1 =	vld [tilespmem:s16+$0x1050];
	_ =	sdelay $0x4  }
0x2f: {  	[tilespmem:v0+s9+$0x0] =	vst.idx.msk $0xffff, v1  }
0x30: {  	v0 =	vld [tilespmem:s16+$0x60];
	_ =	sdelay $0x2  }
0x31: {  	v1 =	vld [tilespmem:s16+$0x1060];
	_ =	sdelay $0x4  }
0x32: {  	[tilespmem:v0+s9+$0x0] =	vst.idx.msk $0xffff, v1  }
0x33: {  	v0 =	vld [tilespmem:s16+$0x70];
	_ =	sdelay $0x2  }
0x34: {  	p0 =	sne.s32 s15, $0x3E00;
	v1 =	vld [tilespmem:s16+$0x1070]  }
.Ltmp1:
0x35: {  	_ = 	snop;
	(pc) =	sbr.rel @p0 .LBB2_3-.Ltmp1, $2  }
0x36: {  	_ =	sdelay $0x2  }
0x37: {  	s15 =	sadd.s32 $0x200, s15;
	[tilespmem:v0+s9+$0x0] =	vst.idx.msk $0xffff, v1  }
0x38: {  	s14 =	sadd.s32 $0x1, s14  }
0x39: {  	p0 =	sne.s32 s14, s6  }
.Ltmp2:
0x3a: {  	_ = 	snop;
	(pc) =	sbr.rel @p0 .LBB2_2-.Ltmp2, $4  }
0x3b: {  	[hbm4b:s5+s7] =	stream.linear.scatter [tilespmem:s9], [sflag:$0x4], $0x800, $0x38;
	[tilespmem:$0x2800] =	vst v63  }
0x3c: {  	_ =	swait.ge [sflag:s13], $0x800  }
0x3d: {  	[sflag:s13] =	ssyncset.done $0x0  }
0x3e: {  	[sflag:s13] =	ssyncadd.s32 $0xFFFFF800  }
.LBB2_5:
0x3f: {  	_ =	sfence.sel $0x180000  }
0x40: {  	[bflag:$0x0] =	sbarrier.arrive $0xFFFF  }
0x41: {  	p0 =	sne.s32 s0, $0x0;
	_ =	strace $0x90000047  }
0x42: {  	s0 =	sadd.s32 @!p0 $0x100000, s2;
	[bflag:$0x2] =	sbarrier.arrive $0xFFFF  }
0x43: {  	[sflag:s0] =	ssyncadd.tile.s32 @!p0 $0x1;
	_ =	shalt  }
.Lfunc_end2:
_tile_overlayer_lowered:
.L_overlay_start_2:
0x44: {  	(tag) =	ssettag $0x2  }
0x45: {  	s0 =	rddreg [dreg:$0x0];
	s2 =	stileid.u32  }
0x46: {  	s1 =	rddreg [dreg:$0x1];
	p0 =	sne.s32 s2, $0x0  }
0x47: {  	s3 =	rddreg [dreg:$0x2];
	[bflag:$0x3] =	sbarrier.arrive $0xFFFF;
	s2 =	simm.s32 @!p0 $0x1C04  }
0x48: {  	[timem:s3], [sflag:s2] =	dma.local @!p0 [hbm:s0], s1  }
0x49: {  	s0 =	simm.s32 @!p0 $0x4  }
0x4a: {  	_ =	swait.ge @!p0 [sflag:s0], s1  }
0x4b: {  	s1 =	ssub.s32 @!p0 $0x0, s1;
	[sflag:s0] =	ssyncset.done @!p0 $0x0  }
0x4c: {  	[sflag:s0] =	ssyncadd.s32 @!p0 s1  }
0x4d: {  	[bflag:$0x3] =	sbarrier.arrive $0xFFFF  }
0x4e: {  	_ =	shalt  }

</sc_bundles>
